<compile_context>
chip_gen: v7x
topology: tpu7x:2x2x1
jax: 0.10.2.dev20260603
libtpu: 0.0.44.dev20260713+nightly
codegen_flags: <defaults>
</compile_context>

<pallas_src>
import functools

import jax
import jax.numpy as jnp
from jax import lax
from jax.experimental import pallas as pl
from jax.experimental.pallas import tpu as pltpu
from jax.experimental.pallas import tpu_sc as plsc

B, S, D = 16, 2048, 512
FULL = 60000
HALF = FULL // 2
LANES = 16


def _pool_body(h_ref, w_ref, b_ref, out_ref):
    hb = h_ref[...]
    w = w_ref[...][None, None, :]
    out_ref[...] = jnp.sum(hb * w, axis=-1) + b_ref[0]


def _pooled_tc(h, conv_w, conv_b, blk=32):
    n = B * S // 128
    h3 = h.reshape(n, 128, D)
    pooled = pl.pallas_call(
        _pool_body,
        grid=(n // blk,),
        in_specs=[
            pl.BlockSpec((blk, 128, D), lambda i: (i, 0, 0)),
            pl.BlockSpec((D,), lambda i: (0,)),
            pl.BlockSpec((1,), lambda i: (0,)),
        ],
        out_specs=pl.BlockSpec((blk, 128), lambda i: (i, 0)),
        out_shape=jax.ShapeDtypeStruct((n, 128), jnp.float32),
    )(h3, conv_w, conv_b)
    return pooled.reshape(B, S)


_MESH = plsc.VectorSubcoreMesh(core_axis_name="c", subcore_axis_name="s")


@functools.partial(
    pl.kernel,
    mesh=_MESH,
    compiler_params=pltpu.CompilerParams(needs_layout_passes=False),
    out_type=jax.ShapeDtypeStruct((B * FULL,), jnp.float32),
    scratch_types=[
        pltpu.VMEM((S,), jnp.int32),
        pltpu.VMEM((S,), jnp.float32),
        pltpu.VMEM((HALF,), jnp.float32),
        pltpu.SemaphoreType.DMA,
        pltpu.SemaphoreType.DMA,
    ],
)
def _scatter_sc(idx_hbm, val_hbm, out_hbm, idx_v, val_v, row_v, sem_i, sem_v):
    wid = lax.axis_index("c") * 16 + lax.axis_index("s")
    b = wid // 2
    lo = (wid % 2) * HALF

    cp_i = pltpu.async_copy(idx_hbm.at[pl.ds(b * S, S)], idx_v, sem_i)
    cp_v = pltpu.async_copy(val_hbm.at[pl.ds(b * S, S)], val_v, sem_v)

    zeros = jnp.zeros((LANES,), jnp.float32)

    def zero_body(j, _):
        base = j * (25 * LANES)
        for u in range(25):
            row_v[pl.ds(base + u * LANES, LANES)] = zeros
        return 0

    lax.fori_loop(0, HALF // (25 * LANES), zero_body, 0)

    cp_i.wait()
    cp_v.wait()

    def scat_body(i, _):
        base = i * (8 * LANES)
        for u in range(8):
            idx = idx_v[pl.ds(base + u * LANES, LANES)]
            val = val_v[pl.ds(base + u * LANES, LANES)]
            local = idx - lo
            mask = (local >= 0) & (local < HALF)
            plsc.store_scatter(row_v, [local], val, mask=mask)
        return 0

    lax.fori_loop(0, S // (8 * LANES), scat_body, 0)

    pltpu.sync_copy(row_v, out_hbm.at[pl.ds(b * FULL + lo, HALF)])


def kernel(h, gene_pos, conv_w, conv_b):
    pooled = _pooled_tc(h, conv_w, conv_b)
    out = _scatter_sc(gene_pos.reshape(B * S), pooled.reshape(B * S))
    return out.reshape(B, FULL)

# --- scband reference (transcript-rebuilt; emitter-appended) ---
"""Pipeline reference for scband-conv-pooler-21689584844915 (READ-ONLY COPY).

The authoritative reference and input builder live on the scoring server;
editing this copy changes nothing except your own understanding.
"""

import jax, jax.numpy as jnp
import numpy as np

FULL_SEQ_LEN = 60000
PAD_GENE_ID = FULL_SEQ_LEN
B, S, D = 16, 2048, 512


def setup_inputs(seed: int = 0) -> dict:
    key = jax.random.key(seed)
    k1, k2, k3, k4 = jax.random.split(key, 4)
    h = jax.random.normal(k1, (B, S, D), dtype=jnp.float32)
    gene_pos = jax.random.randint(k2, (B, S), 0, FULL_SEQ_LEN, dtype=jnp.int32)
    # Conv2d(1, 1, (1, dim)) == per-position dot product with a length-D kernel plus bias
    conv_w = jax.random.normal(k3, (D,), dtype=jnp.float32) * (1.0 / np.sqrt(D))
    conv_b = jax.random.normal(k4, (1,), dtype=jnp.float32) * 0.05
    return {"h": h, "gene_pos": gene_pos, "conv_w": conv_w, "conv_b": conv_b}


def reference(h, gene_pos, conv_w, conv_b):
    batchsize, seqlen, dim = h.shape
    # nn.Conv2d(1,1,(1,dim)) over h[:,None,:,:] -> [B,1,S,1] -> view [B, S]
    pooled = jnp.einsum('bsd,d->bs', h, conv_w) + conv_b[0]
    # per-batch: seq_len = count of non-pad entries; scatter first seq_len pooled values
    mask = gene_pos != PAD_GENE_ID
    seq_len = jnp.sum(mask.astype(jnp.int32), axis=1)  # [B]
    pos = jnp.arange(seqlen)[None, :]
    valid = pos < seq_len[:, None]
    # route invalid (padded-tail) writes to a dump slot, then drop it
    idx = jnp.where(valid, gene_pos, FULL_SEQ_LEN)
    out = jnp.zeros((batchsize, FULL_SEQ_LEN + 1), dtype=h.dtype)
    batch_idx = jnp.arange(batchsize)[:, None]
    out = out.at[batch_idx, idx].set(pooled)
    return out[:, :FULL_SEQ_LEN]

if __name__ == "__main__":
    import jax
    _d = setup_inputs()
    print(jax.jit(kernel)(*tuple(_d.values())))

</pallas_src>

<mosaic_0001>
#map = affine_map<(d0, d1) -> (0)>
module attributes {stable_mosaic.version = 14 : i64} {
  func.func @_scatter_sc(%arg0: i32, %arg1: i32, %arg2: memref<32768xi32, #tpu.memory_space<hbm>>, %arg3: memref<32768xf32, #tpu.memory_space<hbm>>, %arg4: memref<960000xf32, #tpu.memory_space<hbm>>, %arg5: memref<2048xi32, #tpu.memory_space<vmem>>, %arg6: memref<2048xf32, #tpu.memory_space<vmem>>, %arg7: memref<30000xf32, #tpu.memory_space<vmem>>, %arg8: memref<!tpu.dma_semaphore, #tpu.memory_space<semaphore_mem>>, %arg9: memref<!tpu.dma_semaphore, #tpu.memory_space<semaphore_mem>>) attributes {dimension_semantics = [#tpu.dimension_semantics<core_parallel>, #tpu.dimension_semantics<subcore_parallel>], iteration_bounds = array<i64: 2, 16>, scalar_prefetch = 0 : i64, scratch_operands = 5 : i64, tpu.core_type = #tpu.core_type<sc_vector_subcore>, window_params = [{transform_indices = #map}, {transform_indices = #map}, {transform_indices = #map}]} {
    %mul3A = arith.constant 16 : i32
    %mul3A_0 = arith.muli %arg0, %mul3A : i32
    %add3A = arith.addi %mul3A_0, %arg1 : i32
    %jit3A = arith.constant 2 : i32
    %div3A = arith.divsi %add3A, %jit3A : i32
    %sign3A = arith.constant 0 : i32
    %sign3A_1 = arith.cmpi sgt, %add3A, %sign3A : i32
    %sign3A_2 = arith.extui %sign3A_1 : i1 to i32
    %sign3A_3 = arith.constant 0 : i32
    %sign3A_4 = arith.cmpi slt, %add3A, %sign3A_3 : i32
    %sign3A_5 = arith.extui %sign3A_4 : i1 to i32
    %sign3A_6 = arith.subi %sign3A_2, %sign3A_5 : i32
    %sign3A_7 = arith.constant 0 : i32
    %sign3A_8 = arith.cmpi sgt, %jit3A, %sign3A_7 : i32
    %sign3A_9 = arith.extui %sign3A_8 : i1 to i32
    %sign3A_10 = arith.constant 0 : i32
    %sign3A_11 = arith.cmpi slt, %jit3A, %sign3A_10 : i32
    %sign3A_12 = arith.extui %sign3A_11 : i1 to i32
    %sign3A_13 = arith.subi %sign3A_9, %sign3A_12 : i32
    %ne3A = arith.cmpi ne, %sign3A_6, %sign3A_13 : i32
    %rem3A = arith.remsi %add3A, %jit3A : i32
    %ne3A_14 = arith.constant 0 : i32
    %ne3A_15 = arith.cmpi ne, %rem3A, %ne3A_14 : i32
    %and3A = arith.andi %ne3A, %ne3A_15 : i1
    %sub3A = arith.constant 1 : i32
    %sub3A_16 = arith.subi %div3A, %sub3A : i32
    %select_n3A = arith.select %and3A, %sub3A_16, %div3A : i32
    %jit3A_17 = arith.constant 2 : i32
    %eq3A = arith.constant 0 : i32
    %eq3A_18 = arith.cmpi eq, %jit3A_17, %eq3A : i32
    %jit3A_19 = arith.constant 1 : i32
    %select_n3A_20 = arith.select %eq3A_18, %jit3A_19, %jit3A_17 : i32
    %rem3A_21 = arith.remsi %add3A, %select_n3A_20 : i32
    %ne3A_22 = arith.constant 0 : i32
    %ne3A_23 = arith.cmpi ne, %rem3A_21, %ne3A_22 : i32
    %lt3A = arith.constant 0 : i32
    %lt3A_24 = arith.cmpi slt, %rem3A_21, %lt3A : i32
    %lt3A_25 = arith.constant 0 : i32
    %lt3A_26 = arith.cmpi slt, %select_n3A_20, %lt3A_25 : i32
    %ne3A_27 = arith.xori %lt3A_24, %lt3A_26 : i1
    %and3A_28 = arith.andi %ne3A_27, %ne3A_23 : i1
    %add3A_29 = arith.addi %rem3A_21, %select_n3A_20 : i32
    %select_n3A_30 = arith.select %and3A_28, %add3A_29, %rem3A_21 : i32
    %mul3A_31 = arith.constant 30000 : i32
    %mul3A_32 = arith.muli %select_n3A_30, %mul3A_31 : i32
    %mul3A_33 = arith.constant 2048 : i32
    %mul3A_34 = arith.muli %select_n3A, %mul3A_33 : i32
    %dma_start3A = tpu.memref_slice %arg2[%mul3A_34] : memref<32768xi32, #tpu.memory_space<hbm>> -> memref<2048xi32, #tpu.memory_space<hbm>>
    %dma_start3A_35 = tpu.memref_slice %arg2[%mul3A_34] : memref<32768xi32, #tpu.memory_space<hbm>> -> memref<2048xi32, #tpu.memory_space<hbm>>
    tpu.enqueue_dma source(%dma_start3A_35 : memref<2048xi32, #tpu.memory_space<hbm>>) target(%arg5 : memref<2048xi32, #tpu.memory_space<vmem>>) target_semaphore(%arg8 : memref<!tpu.dma_semaphore, #tpu.memory_space<semaphore_mem>>)
    %mul3A_36 = arith.constant 2048 : i32
    %mul3A_37 = arith.muli %select_n3A, %mul3A_36 : i32
    %dma_start3A_38 = tpu.memref_slice %arg3[%mul3A_37] : memref<32768xf32, #tpu.memory_space<hbm>> -> memref<2048xf32, #tpu.memory_space<hbm>>
    %dma_start3A_39 = tpu.memref_slice %arg3[%mul3A_37] : memref<32768xf32, #tpu.memory_space<hbm>> -> memref<2048xf32, #tpu.memory_space<hbm>>
    tpu.enqueue_dma source(%dma_start3A_39 : memref<2048xf32, #tpu.memory_space<hbm>>) target(%arg6 : memref<2048xf32, #tpu.memory_space<vmem>>) target_semaphore(%arg9 : memref<!tpu.dma_semaphore, #tpu.memory_space<semaphore_mem>>)
    %broadcast_in_dim3A = arith.constant 0.000000e+00 : f32
    %broadcast_in_dim3A_40 = vector.broadcast %broadcast_in_dim3A : f32 to vector<16xf32>
    %scan3A = arith.constant 0 : i32
    %scan3A_41 = arith.constant 0 : i32
    %scan3A_42 = arith.constant 75 : i32
    %scan3A_43 = arith.addi %scan3A_41, %scan3A_42 : i32
    %scan3A_44 = arith.constant 1 : i32
    %scan3A_45 = scf.for %scan3A_60 = %scan3A_41 to %scan3A_43 step %scan3A_44 iter_args(%scan3A_61 = %scan3A) -> (i32)  : i32 {
      %mul3A_62 = arith.constant 400 : i32
      %mul3A_63 = arith.muli %scan3A_60, %mul3A_62 : i32
      %add3A_64 = arith.constant 0 : i32
      %add3A_65 = arith.addi %mul3A_63, %add3A_64 : i32
      %swap3A = arith.index_cast %add3A_65 : i32 to index
      %swap3A_66 = tpu.vector_load %arg7[%swap3A] {strides = array<i32>} : memref<30000xf32, #tpu.memory_space<vmem>>, vector<16xf32>,
      tpu.vector_store %arg7[%swap3A], %broadcast_in_dim3A_40 {strides = array<i32>} : memref<30000xf32, #tpu.memory_space<vmem>>, vector<16xf32>,
      %add3A_67 = arith.constant 16 : i32
      %add3A_68 = arith.addi %mul3A_63, %add3A_67 : i32
      %swap3A_69 = arith.index_cast %add3A_68 : i32 to index
      %swap3A_70 = tpu.vector_load %arg7[%swap3A_69] {strides = array<i32>} : memref<30000xf32, #tpu.memory_space<vmem>>, vector<16xf32>,
      tpu.vector_store %arg7[%swap3A_69], %broadcast_in_dim3A_40 {strides = array<i32>} : memref<30000xf32, #tpu.memory_space<vmem>>, vector<16xf32>,
      %add3A_71 = arith.constant 32 : i32
      %add3A_72 = arith.addi %mul3A_63, %add3A_71 : i32
      %swap3A_73 = arith.index_cast %add3A_72 : i32 to index
      %swap3A_74 = tpu.vector_load %arg7[%swap3A_73] {strides = array<i32>} : memref<30000xf32, #tpu.memory_space<vmem>>, vector<16xf32>,
      tpu.vector_store %arg7[%swap3A_73], %broadcast_in_dim3A_40 {strides = array<i32>} : memref<30000xf32, #tpu.memory_space<vmem>>, vector<16xf32>,
      %add3A_75 = arith.constant 48 : i32
      %add3A_76 = arith.addi %mul3A_63, %add3A_75 : i32
      %swap3A_77 = arith.index_cast %add3A_76 : i32 to index
      %swap3A_78 = tpu.vector_load %arg7[%swap3A_77] {strides = array<i32>} : memref<30000xf32, #tpu.memory_space<vmem>>, vector<16xf32>,
      tpu.vector_store %arg7[%swap3A_77], %broadcast_in_dim3A_40 {strides = array<i32>} : memref<30000xf32, #tpu.memory_space<vmem>>, vector<16xf32>,
      %add3A_79 = arith.constant 64 : i32
      %add3A_80 = arith.addi %mul3A_63, %add3A_79 : i32
      %swap3A_81 = arith.index_cast %add3A_80 : i32 to index
      %swap3A_82 = tpu.vector_load %arg7[%swap3A_81] {strides = array<i32>} : memref<30000xf32, #tpu.memory_space<vmem>>, vector<16xf32>,
      tpu.vector_store %arg7[%swap3A_81], %broadcast_in_dim3A_40 {strides = array<i32>} : memref<30000xf32, #tpu.memory_space<vmem>>, vector<16xf32>,
      %add3A_83 = arith.constant 80 : i32
      %add3A_84 = arith.addi %mul3A_63, %add3A_83 : i32
      %swap3A_85 = arith.index_cast %add3A_84 : i32 to index
      %swap3A_86 = tpu.vector_load %arg7[%swap3A_85] {strides = array<i32>} : memref<30000xf32, #tpu.memory_space<vmem>>, vector<16xf32>,
      tpu.vector_store %arg7[%swap3A_85], %broadcast_in_dim3A_40 {strides = array<i32>} : memref<30000xf32, #tpu.memory_space<vmem>>, vector<16xf32>,
      %add3A_87 = arith.constant 96 : i32
      %add3A_88 = arith.addi %mul3A_63, %add3A_87 : i32
      %swap3A_89 = arith.index_cast %add3A_88 : i32 to index
      %swap3A_90 = tpu.vector_load %arg7[%swap3A_89] {strides = array<i32>} : memref<30000xf32, #tpu.memory_space<vmem>>, vector<16xf32>,
      tpu.vector_store %arg7[%swap3A_89], %broadcast_in_dim3A_40 {strides = array<i32>} : memref<30000xf32, #tpu.memory_space<vmem>>, vector<16xf32>,
      %add3A_91 = arith.constant 112 : i32
      %add3A_92 = arith.addi %mul3A_63, %add3A_91 : i32
      %swap3A_93 = arith.index_cast %add3A_92 : i32 to index
      %swap3A_94 = tpu.vector_load %arg7[%swap3A_93] {strides = array<i32>} : memref<30000xf32, #tpu.memory_space<vmem>>, vector<16xf32>,
      tpu.vector_store %arg7[%swap3A_93], %broadcast_in_dim3A_40 {strides = array<i32>} : memref<30000xf32, #tpu.memory_space<vmem>>, vector<16xf32>,
      %add3A_95 = arith.constant 128 : i32
      %add3A_96 = arith.addi %mul3A_63, %add3A_95 : i32
      %swap3A_97 = arith.index_cast %add3A_96 : i32 to index
      %swap3A_98 = tpu.vector_load %arg7[%swap3A_97] {strides = array<i32>} : memref<30000xf32, #tpu.memory_space<vmem>>, vector<16xf32>,
      tpu.vector_store %arg7[%swap3A_97], %broadcast_in_dim3A_40 {strides = array<i32>} : memref<30000xf32, #tpu.memory_space<vmem>>, vector<16xf32>,
      %add3A_99 = arith.constant 144 : i32
      %add3A_100 = arith.addi %mul3A_63, %add3A_99 : i32
      %swap3A_101 = arith.index_cast %add3A_100 : i32 to index
      %swap3A_102 = tpu.vector_load %arg7[%swap3A_101] {strides = array<i32>} : memref<30000xf32, #tpu.memory_space<vmem>>, vector<16xf32>,
      tpu.vector_store %arg7[%swap3A_101], %broadcast_in_dim3A_40 {strides = array<i32>} : memref<30000xf32, #tpu.memory_space<vmem>>, vector<16xf32>,
      %add3A_103 = arith.constant 160 : i32
      %add3A_104 = arith.addi %mul3A_63, %add3A_103 : i32
      %swap3A_105 = arith.index_cast %add3A_104 : i32 to index
      %swap3A_106 = tpu.vector_load %arg7[%swap3A_105] {strides = array<i32>} : memref<30000xf32, #tpu.memory_space<vmem>>, vector<16xf32>,
      tpu.vector_store %arg7[%swap3A_105], %broadcast_in_dim3A_40 {strides = array<i32>} : memref<30000xf32, #tpu.memory_space<vmem>>, vector<16xf32>,
      %add3A_107 = arith.constant 176 : i32
      %add3A_108 = arith.addi %mul3A_63, %add3A_107 : i32
      %swap3A_109 = arith.index_cast %add3A_108 : i32 to index
      %swap3A_110 = tpu.vector_load %arg7[%swap3A_109] {strides = array<i32>} : memref<30000xf32, #tpu.memory_space<vmem>>, vector<16xf32>,
      tpu.vector_store %arg7[%swap3A_109], %broadcast_in_dim3A_40 {strides = array<i32>} : memref<30000xf32, #tpu.memory_space<vmem>>, vector<16xf32>,
      %add3A_111 = arith.constant 192 : i32
      %add3A_112 = arith.addi %mul3A_63, %add3A_111 : i32
      %swap3A_113 = arith.index_cast %add3A_112 : i32 to index
      %swap3A_114 = tpu.vector_load %arg7[%swap3A_113] {strides = array<i32>} : memref<30000xf32, #tpu.memory_space<vmem>>, vector<16xf32>,
      tpu.vector_store %arg7[%swap3A_113], %broadcast_in_dim3A_40 {strides = array<i32>} : memref<30000xf32, #tpu.memory_space<vmem>>, vector<16xf32>,
      %add3A_115 = arith.constant 208 : i32
      %add3A_116 = arith.addi %mul3A_63, %add3A_115 : i32
      %swap3A_117 = arith.index_cast %add3A_116 : i32 to index
      %swap3A_118 = tpu.vector_load %arg7[%swap3A_117] {strides = array<i32>} : memref<30000xf32, #tpu.memory_space<vmem>>, vector<16xf32>,
      tpu.vector_store %arg7[%swap3A_117], %broadcast_in_dim3A_40 {strides = array<i32>} : memref<30000xf32, #tpu.memory_space<vmem>>, vector<16xf32>,
      %add3A_119 = arith.constant 224 : i32
      %add3A_120 = arith.addi %mul3A_63, %add3A_119 : i32
      %swap3A_121 = arith.index_cast %add3A_120 : i32 to index
      %swap3A_122 = tpu.vector_load %arg7[%swap3A_121] {strides = array<i32>} : memref<30000xf32, #tpu.memory_space<vmem>>, vector<16xf32>,
      tpu.vector_store %arg7[%swap3A_121], %broadcast_in_dim3A_40 {strides = array<i32>} : memref<30000xf32, #tpu.memory_space<vmem>>, vector<16xf32>,
      %add3A_123 = arith.constant 240 : i32
      %add3A_124 = arith.addi %mul3A_63, %add3A_123 : i32
      %swap3A_125 = arith.index_cast %add3A_124 : i32 to index
      %swap3A_126 = tpu.vector_load %arg7[%swap3A_125] {strides = array<i32>} : memref<30000xf32, #tpu.memory_space<vmem>>, vector<16xf32>,
      tpu.vector_store %arg7[%swap3A_125], %broadcast_in_dim3A_40 {strides = array<i32>} : memref<30000xf32, #tpu.memory_space<vmem>>, vector<16xf32>,
      %add3A_127 = arith.constant 256 : i32
      %add3A_128 = arith.addi %mul3A_63, %add3A_127 : i32
      %swap3A_129 = arith.index_cast %add3A_128 : i32 to index
      %swap3A_130 = tpu.vector_load %arg7[%swap3A_129] {strides = array<i32>} : memref<30000xf32, #tpu.memory_space<vmem>>, vector<16xf32>,
      tpu.vector_store %arg7[%swap3A_129], %broadcast_in_dim3A_40 {strides = array<i32>} : memref<30000xf32, #tpu.memory_space<vmem>>, vector<16xf32>,
      %add3A_131 = arith.constant 272 : i32
      %add3A_132 = arith.addi %mul3A_63, %add3A_131 : i32
      %swap3A_133 = arith.index_cast %add3A_132 : i32 to index
      %swap3A_134 = tpu.vector_load %arg7[%swap3A_133] {strides = array<i32>} : memref<30000xf32, #tpu.memory_space<vmem>>, vector<16xf32>,
      tpu.vector_store %arg7[%swap3A_133], %broadcast_in_dim3A_40 {strides = array<i32>} : memref<30000xf32, #tpu.memory_space<vmem>>, vector<16xf32>,
      %add3A_135 = arith.constant 288 : i32
      %add3A_136 = arith.addi %mul3A_63, %add3A_135 : i32
      %swap3A_137 = arith.index_cast %add3A_136 : i32 to index
      %swap3A_138 = tpu.vector_load %arg7[%swap3A_137] {strides = array<i32>} : memref<30000xf32, #tpu.memory_space<vmem>>, vector<16xf32>,
      tpu.vector_store %arg7[%swap3A_137], %broadcast_in_dim3A_40 {strides = array<i32>} : memref<30000xf32, #tpu.memory_space<vmem>>, vector<16xf32>,
      %add3A_139 = arith.constant 304 : i32
      %add3A_140 = arith.addi %mul3A_63, %add3A_139 : i32
      %swap3A_141 = arith.index_cast %add3A_140 : i32 to index
      %swap3A_142 = tpu.vector_load %arg7[%swap3A_141] {strides = array<i32>} : memref<30000xf32, #tpu.memory_space<vmem>>, vector<16xf32>,
      tpu.vector_store %arg7[%swap3A_141], %broadcast_in_dim3A_40 {strides = array<i32>} : memref<30000xf32, #tpu.memory_space<vmem>>, vector<16xf32>,
      %add3A_143 = arith.constant 320 : i32
      %add3A_144 = arith.addi %mul3A_63, %add3A_143 : i32
      %swap3A_145 = arith.index_cast %add3A_144 : i32 to index
      %swap3A_146 = tpu.vector_load %arg7[%swap3A_145] {strides = array<i32>} : memref<30000xf32, #tpu.memory_space<vmem>>, vector<16xf32>,
      tpu.vector_store %arg7[%swap3A_145], %broadcast_in_dim3A_40 {strides = array<i32>} : memref<30000xf32, #tpu.memory_space<vmem>>, vector<16xf32>,
      %add3A_147 = arith.constant 336 : i32
      %add3A_148 = arith.addi %mul3A_63, %add3A_147 : i32
      %swap3A_149 = arith.index_cast %add3A_148 : i32 to index
      %swap3A_150 = tpu.vector_load %arg7[%swap3A_149] {strides = array<i32>} : memref<30000xf32, #tpu.memory_space<vmem>>, vector<16xf32>,
      tpu.vector_store %arg7[%swap3A_149], %broadcast_in_dim3A_40 {strides = array<i32>} : memref<30000xf32, #tpu.memory_space<vmem>>, vector<16xf32>,
      %add3A_151 = arith.constant 352 : i32
      %add3A_152 = arith.addi %mul3A_63, %add3A_151 : i32
      %swap3A_153 = arith.index_cast %add3A_152 : i32 to index
      %swap3A_154 = tpu.vector_load %arg7[%swap3A_153] {strides = array<i32>} : memref<30000xf32, #tpu.memory_space<vmem>>, vector<16xf32>,
      tpu.vector_store %arg7[%swap3A_153], %broadcast_in_dim3A_40 {strides = array<i32>} : memref<30000xf32, #tpu.memory_space<vmem>>, vector<16xf32>,
      %add3A_155 = arith.constant 368 : i32
      %add3A_156 = arith.addi %mul3A_63, %add3A_155 : i32
      %swap3A_157 = arith.index_cast %add3A_156 : i32 to index
      %swap3A_158 = tpu.vector_load %arg7[%swap3A_157] {strides = array<i32>} : memref<30000xf32, #tpu.memory_space<vmem>>, vector<16xf32>,
      tpu.vector_store %arg7[%swap3A_157], %broadcast_in_dim3A_40 {strides = array<i32>} : memref<30000xf32, #tpu.memory_space<vmem>>, vector<16xf32>,
      %add3A_159 = arith.constant 384 : i32
      %add3A_160 = arith.addi %mul3A_63, %add3A_159 : i32
      %swap3A_161 = arith.index_cast %add3A_160 : i32 to index
      %swap3A_162 = tpu.vector_load %arg7[%swap3A_161] {strides = array<i32>} : memref<30000xf32, #tpu.memory_space<vmem>>, vector<16xf32>,
      tpu.vector_store %arg7[%swap3A_161], %broadcast_in_dim3A_40 {strides = array<i32>} : memref<30000xf32, #tpu.memory_space<vmem>>, vector<16xf32>,
      %scan3A_163 = arith.constant 0 : i32
      scf.yield %scan3A_163 : i32
    }
    %scan3A_46 = arith.constant 75 : i32
    %dma_wait3A = tpu.memref_slice %arg2[%mul3A_34] : memref<32768xi32, #tpu.memory_space<hbm>> -> memref<2048xi32, #tpu.memory_space<hbm>>
    %dma_wait3A_47 = tpu.memref_slice %arg2[%mul3A_34] : memref<32768xi32, #tpu.memory_space<hbm>> -> memref<2048xi32, #tpu.memory_space<hbm>>
    tpu.wait_dma2 semaphore(%arg8 : memref<!tpu.dma_semaphore, #tpu.memory_space<semaphore_mem>>) src(%dma_wait3A_47 : memref<2048xi32, #tpu.memory_space<hbm>>) dst(%arg5 : memref<2048xi32, #tpu.memory_space<vmem>>)
    %dma_wait3A_48 = tpu.memref_slice %arg3[%mul3A_37] : memref<32768xf32, #tpu.memory_space<hbm>> -> memref<2048xf32, #tpu.memory_space<hbm>>
    %dma_wait3A_49 = tpu.memref_slice %arg3[%mul3A_37] : memref<32768xf32, #tpu.memory_space<hbm>> -> memref<2048xf32, #tpu.memory_space<hbm>>
    tpu.wait_dma2 semaphore(%arg9 : memref<!tpu.dma_semaphore, #tpu.memory_space<semaphore_mem>>) src(%dma_wait3A_49 : memref<2048xf32, #tpu.memory_space<hbm>>) dst(%arg6 : memref<2048xf32, #tpu.memory_space<vmem>>)
    %scan3A_50 = arith.constant 0 : i32
    %scan3A_51 = arith.constant 0 : i32
    %scan3A_52 = arith.constant 16 : i32
    %scan3A_53 = arith.addi %scan3A_51, %scan3A_52 : i32
    %scan3A_54 = arith.constant 1 : i32
    %scan3A_55 = scf.for %scan3A_60 = %scan3A_51 to %scan3A_53 step %scan3A_54 iter_args(%scan3A_61 = %scan3A_50) -> (i32)  : i32 {
      %mul3A_62 = arith.constant 128 : i32
      %mul3A_63 = arith.muli %scan3A_60, %mul3A_62 : i32
      %add3A_64 = arith.constant 0 : i32
      %add3A_65 = arith.addi %mul3A_63, %add3A_64 : i32
      %get3A = arith.index_cast %add3A_65 : i32 to index
      %get3A_66 = tpu.vector_load %arg5[%get3A] {strides = array<i32>} : memref<2048xi32, #tpu.memory_space<vmem>>, vector<16xi32>,
      %add3A_67 = arith.constant 0 : i32
      %add3A_68 = arith.addi %mul3A_63, %add3A_67 : i32
      %get3A_69 = arith.index_cast %add3A_68 : i32 to index
      %get3A_70 = tpu.vector_load %arg6[%get3A_69] {strides = array<i32>} : memref<2048xf32, #tpu.memory_space<vmem>>, vector<16xf32>,
      %sub3A_71 = vector.broadcast %mul3A_32 : i32 to vector<16xi32>
      %sub3A_72 = arith.subi %get3A_66, %sub3A_71 : vector<16xi32>
      %ge3A = arith.constant 0 : i32
      %ge3A_73 = vector.broadcast %ge3A : i32 to vector<16xi32>
      %ge3A_74 = arith.cmpi sge, %sub3A_72, %ge3A_73 : vector<16xi32>
      %lt3A_75 = arith.constant 30000 : i32
      %lt3A_76 = vector.broadcast %lt3A_75 : i32 to vector<16xi32>
      %lt3A_77 = arith.cmpi slt, %sub3A_72, %lt3A_76 : vector<16xi32>
      %and3A_78 = arith.andi %ge3A_74, %lt3A_77 : vector<16xi1>
      tpu.vector_store_idx %arg7[%sub3A_72], %get3A_70 masked %and3A_78 : memref<30000xf32, #tpu.memory_space<vmem>>[vector<16xi32>], vector<16xf32>, vector<16xi1>
      %add3A_79 = arith.constant 16 : i32
      %add3A_80 = arith.addi %mul3A_63, %add3A_79 : i32
      %get3A_81 = arith.index_cast %add3A_80 : i32 to index
      %get3A_82 = tpu.vector_load %arg5[%get3A_81] {strides = array<i32>} : memref<2048xi32, #tpu.memory_space<vmem>>, vector<16xi32>,
      %add3A_83 = arith.constant 16 : i32
      %add3A_84 = arith.addi %mul3A_63, %add3A_83 : i32
      %get3A_85 = arith.index_cast %add3A_84 : i32 to index
      %get3A_86 = tpu.vector_load %arg6[%get3A_85] {strides = array<i32>} : memref<2048xf32, #tpu.memory_space<vmem>>, vector<16xf32>,
      %sub3A_87 = vector.broadcast %mul3A_32 : i32 to vector<16xi32>
      %sub3A_88 = arith.subi %get3A_82, %sub3A_87 : vector<16xi32>
      %ge3A_89 = arith.constant 0 : i32
      %ge3A_90 = vector.broadcast %ge3A_89 : i32 to vector<16xi32>
      %ge3A_91 = arith.cmpi sge, %sub3A_88, %ge3A_90 : vector<16xi32>
      %lt3A_92 = arith.constant 30000 : i32
      %lt3A_93 = vector.broadcast %lt3A_92 : i32 to vector<16xi32>
      %lt3A_94 = arith.cmpi slt, %sub3A_88, %lt3A_93 : vector<16xi32>
      %and3A_95 = arith.andi %ge3A_91, %lt3A_94 : vector<16xi1>
      tpu.vector_store_idx %arg7[%sub3A_88], %get3A_86 masked %and3A_95 : memref<30000xf32, #tpu.memory_space<vmem>>[vector<16xi32>], vector<16xf32>, vector<16xi1>
      %add3A_96 = arith.constant 32 : i32
      %add3A_97 = arith.addi %mul3A_63, %add3A_96 : i32
      %get3A_98 = arith.index_cast %add3A_97 : i32 to index
      %get3A_99 = tpu.vector_load %arg5[%get3A_98] {strides = array<i32>} : memref<2048xi32, #tpu.memory_space<vmem>>, vector<16xi32>,
      %add3A_100 = arith.constant 32 : i32
      %add3A_101 = arith.addi %mul3A_63, %add3A_100 : i32
      %get3A_102 = arith.index_cast %add3A_101 : i32 to index
      %get3A_103 = tpu.vector_load %arg6[%get3A_102] {strides = array<i32>} : memref<2048xf32, #tpu.memory_space<vmem>>, vector<16xf32>,
      %sub3A_104 = vector.broadcast %mul3A_32 : i32 to vector<16xi32>
      %sub3A_105 = arith.subi %get3A_99, %sub3A_104 : vector<16xi32>
      %ge3A_106 = arith.constant 0 : i32
      %ge3A_107 = vector.broadcast %ge3A_106 : i32 to vector<16xi32>
      %ge3A_108 = arith.cmpi sge, %sub3A_105, %ge3A_107 : vector<16xi32>
      %lt3A_109 = arith.constant 30000 : i32
      %lt3A_110 = vector.broadcast %lt3A_109 : i32 to vector<16xi32>
      %lt3A_111 = arith.cmpi slt, %sub3A_105, %lt3A_110 : vector<16xi32>
      %and3A_112 = arith.andi %ge3A_108, %lt3A_111 : vector<16xi1>
      tpu.vector_store_idx %arg7[%sub3A_105], %get3A_103 masked %and3A_112 : memref<30000xf32, #tpu.memory_space<vmem>>[vector<16xi32>], vector<16xf32>, vector<16xi1>
      %add3A_113 = arith.constant 48 : i32
      %add3A_114 = arith.addi %mul3A_63, %add3A_113 : i32
      %get3A_115 = arith.index_cast %add3A_114 : i32 to index
      %get3A_116 = tpu.vector_load %arg5[%get3A_115] {strides = array<i32>} : memref<2048xi32, #tpu.memory_space<vmem>>, vector<16xi32>,
      %add3A_117 = arith.constant 48 : i32
      %add3A_118 = arith.addi %mul3A_63, %add3A_117 : i32
      %get3A_119 = arith.index_cast %add3A_118 : i32 to index
      %get3A_120 = tpu.vector_load %arg6[%get3A_119] {strides = array<i32>} : memref<2048xf32, #tpu.memory_space<vmem>>, vector<16xf32>,
      %sub3A_121 = vector.broadcast %mul3A_32 : i32 to vector<16xi32>
      %sub3A_122 = arith.subi %get3A_116, %sub3A_121 : vector<16xi32>
      %ge3A_123 = arith.constant 0 : i32
      %ge3A_124 = vector.broadcast %ge3A_123 : i32 to vector<16xi32>
      %ge3A_125 = arith.cmpi sge, %sub3A_122, %ge3A_124 : vector<16xi32>
      %lt3A_126 = arith.constant 30000 : i32
      %lt3A_127 = vector.broadcast %lt3A_126 : i32 to vector<16xi32>
      %lt3A_128 = arith.cmpi slt, %sub3A_122, %lt3A_127 : vector<16xi32>
      %and3A_129 = arith.andi %ge3A_125, %lt3A_128 : vector<16xi1>
      tpu.vector_store_idx %arg7[%sub3A_122], %get3A_120 masked %and3A_129 : memref<30000xf32, #tpu.memory_space<vmem>>[vector<16xi32>], vector<16xf32>, vector<16xi1>
      %add3A_130 = arith.constant 64 : i32
      %add3A_131 = arith.addi %mul3A_63, %add3A_130 : i32
      %get3A_132 = arith.index_cast %add3A_131 : i32 to index
      %get3A_133 = tpu.vector_load %arg5[%get3A_132] {strides = array<i32>} : memref<2048xi32, #tpu.memory_space<vmem>>, vector<16xi32>,
      %add3A_134 = arith.constant 64 : i32
      %add3A_135 = arith.addi %mul3A_63, %add3A_134 : i32
      %get3A_136 = arith.index_cast %add3A_135 : i32 to index
      %get3A_137 = tpu.vector_load %arg6[%get3A_136] {strides = array<i32>} : memref<2048xf32, #tpu.memory_space<vmem>>, vector<16xf32>,
      %sub3A_138 = vector.broadcast %mul3A_32 : i32 to vector<16xi32>
      %sub3A_139 = arith.subi %get3A_133, %sub3A_138 : vector<16xi32>
      %ge3A_140 = arith.constant 0 : i32
      %ge3A_141 = vector.broadcast %ge3A_140 : i32 to vector<16xi32>
      %ge3A_142 = arith.cmpi sge, %sub3A_139, %ge3A_141 : vector<16xi32>
      %lt3A_143 = arith.constant 30000 : i32
      %lt3A_144 = vector.broadcast %lt3A_143 : i32 to vector<16xi32>
      %lt3A_145 = arith.cmpi slt, %sub3A_139, %lt3A_144 : vector<16xi32>
      %and3A_146 = arith.andi %ge3A_142, %lt3A_145 : vector<16xi1>
      tpu.vector_store_idx %arg7[%sub3A_139], %get3A_137 masked %and3A_146 : memref<30000xf32, #tpu.memory_space<vmem>>[vector<16xi32>], vector<16xf32>, vector<16xi1>
      %add3A_147 = arith.constant 80 : i32
      %add3A_148 = arith.addi %mul3A_63, %add3A_147 : i32
      %get3A_149 = arith.index_cast %add3A_148 : i32 to index
      %get3A_150 = tpu.vector_load %arg5[%get3A_149] {strides = array<i32>} : memref<2048xi32, #tpu.memory_space<vmem>>, vector<16xi32>,
      %add3A_151 = arith.constant 80 : i32
      %add3A_152 = arith.addi %mul3A_63, %add3A_151 : i32
      %get3A_153 = arith.index_cast %add3A_152 : i32 to index
      %get3A_154 = tpu.vector_load %arg6[%get3A_153] {strides = array<i32>} : memref<2048xf32, #tpu.memory_space<vmem>>, vector<16xf32>,
      %sub3A_155 = vector.broadcast %mul3A_32 : i32 to vector<16xi32>
      %sub3A_156 = arith.subi %get3A_150, %sub3A_155 : vector<16xi32>
      %ge3A_157 = arith.constant 0 : i32
      %ge3A_158 = vector.broadcast %ge3A_157 : i32 to vector<16xi32>
      %ge3A_159 = arith.cmpi sge, %sub3A_156, %ge3A_158 : vector<16xi32>
      %lt3A_160 = arith.constant 30000 : i32
      %lt3A_161 = vector.broadcast %lt3A_160 : i32 to vector<16xi32>
      %lt3A_162 = arith.cmpi slt, %sub3A_156, %lt3A_161 : vector<16xi32>
      %and3A_163 = arith.andi %ge3A_159, %lt3A_162 : vector<16xi1>
      tpu.vector_store_idx %arg7[%sub3A_156], %get3A_154 masked %and3A_163 : memref<30000xf32, #tpu.memory_space<vmem>>[vector<16xi32>], vector<16xf32>, vector<16xi1>
      %add3A_164 = arith.constant 96 : i32
      %add3A_165 = arith.addi %mul3A_63, %add3A_164 : i32
      %get3A_166 = arith.index_cast %add3A_165 : i32 to index
      %get3A_167 = tpu.vector_load %arg5[%get3A_166] {strides = array<i32>} : memref<2048xi32, #tpu.memory_space<vmem>>, vector<16xi32>,
      %add3A_168 = arith.constant 96 : i32
      %add3A_169 = arith.addi %mul3A_63, %add3A_168 : i32
      %get3A_170 = arith.index_cast %add3A_169 : i32 to index
      %get3A_171 = tpu.vector_load %arg6[%get3A_170] {strides = array<i32>} : memref<2048xf32, #tpu.memory_space<vmem>>, vector<16xf32>,
      %sub3A_172 = vector.broadcast %mul3A_32 : i32 to vector<16xi32>
      %sub3A_173 = arith.subi %get3A_167, %sub3A_172 : vector<16xi32>
      %ge3A_174 = arith.constant 0 : i32
      %ge3A_175 = vector.broadcast %ge3A_174 : i32 to vector<16xi32>
      %ge3A_176 = arith.cmpi sge, %sub3A_173, %ge3A_175 : vector<16xi32>
      %lt3A_177 = arith.constant 30000 : i32
      %lt3A_178 = vector.broadcast %lt3A_177 : i32 to vector<16xi32>
      %lt3A_179 = arith.cmpi slt, %sub3A_173, %lt3A_178 : vector<16xi32>
      %and3A_180 = arith.andi %ge3A_176, %lt3A_179 : vector<16xi1>
      tpu.vector_store_idx %arg7[%sub3A_173], %get3A_171 masked %and3A_180 : memref<30000xf32, #tpu.memory_space<vmem>>[vector<16xi32>], vector<16xf32>, vector<16xi1>
      %add3A_181 = arith.constant 112 : i32
      %add3A_182 = arith.addi %mul3A_63, %add3A_181 : i32
      %get3A_183 = arith.index_cast %add3A_182 : i32 to index
      %get3A_184 = tpu.vector_load %arg5[%get3A_183] {strides = array<i32>} : memref<2048xi32, #tpu.memory_space<vmem>>, vector<16xi32>,
      %add3A_185 = arith.constant 112 : i32
      %add3A_186 = arith.addi %mul3A_63, %add3A_185 : i32
      %get3A_187 = arith.index_cast %add3A_186 : i32 to index
      %get3A_188 = tpu.vector_load %arg6[%get3A_187] {strides = array<i32>} : memref<2048xf32, #tpu.memory_space<vmem>>, vector<16xf32>,
      %sub3A_189 = vector.broadcast %mul3A_32 : i32 to vector<16xi32>
      %sub3A_190 = arith.subi %get3A_184, %sub3A_189 : vector<16xi32>
      %ge3A_191 = arith.constant 0 : i32
      %ge3A_192 = vector.broadcast %ge3A_191 : i32 to vector<16xi32>
      %ge3A_193 = arith.cmpi sge, %sub3A_190, %ge3A_192 : vector<16xi32>
      %lt3A_194 = arith.constant 30000 : i32
      %lt3A_195 = vector.broadcast %lt3A_194 : i32 to vector<16xi32>
      %lt3A_196 = arith.cmpi slt, %sub3A_190, %lt3A_195 : vector<16xi32>
      %and3A_197 = arith.andi %ge3A_193, %lt3A_196 : vector<16xi1>
      tpu.vector_store_idx %arg7[%sub3A_190], %get3A_188 masked %and3A_197 : memref<30000xf32, #tpu.memory_space<vmem>>[vector<16xi32>], vector<16xf32>, vector<16xi1>
      %scan3A_198 = arith.constant 0 : i32
      scf.yield %scan3A_198 : i32
    }
    %scan3A_56 = arith.constant 16 : i32
    %mul3A_57 = arith.constant 60000 : i32
    %mul3A_58 = arith.muli %select_n3A, %mul3A_57 : i32
    %add3A_59 = arith.addi %mul3A_58, %mul3A_32 : i32
    "tpu.region"() ({
      %run_scoped3A = tpu.sem_alloc : memref<!tpu.dma_semaphore, #tpu.memory_space<semaphore_mem>>
      %dma_start3A_60 = tpu.memref_slice %arg4[%add3A_59] : memref<960000xf32, #tpu.memory_space<hbm>> -> memref<30000xf32, #tpu.memory_space<hbm>>
      %dma_start3A_61 = tpu.memref_slice %arg4[%add3A_59] : memref<960000xf32, #tpu.memory_space<hbm>> -> memref<30000xf32, #tpu.memory_space<hbm>>
      tpu.enqueue_dma source(%arg7 : memref<30000xf32, #tpu.memory_space<vmem>>) target(%dma_start3A_61 : memref<30000xf32, #tpu.memory_space<hbm>>) target_semaphore(%run_scoped3A : memref<!tpu.dma_semaphore, #tpu.memory_space<semaphore_mem>>)
      %dma_wait3A_62 = tpu.memref_slice %arg4[%add3A_59] : memref<960000xf32, #tpu.memory_space<hbm>> -> memref<30000xf32, #tpu.memory_space<hbm>>
      %dma_wait3A_63 = tpu.memref_slice %arg4[%add3A_59] : memref<960000xf32, #tpu.memory_space<hbm>> -> memref<30000xf32, #tpu.memory_space<hbm>>
      tpu.wait_dma2 semaphore(%run_scoped3A : memref<!tpu.dma_semaphore, #tpu.memory_space<semaphore_mem>>) src(%arg7 : memref<30000xf32, #tpu.memory_space<vmem>>) dst(%dma_wait3A_63 : memref<30000xf32, #tpu.memory_space<hbm>>)
      tpu.yield
    }) : () -> ()
    return
  }
}

module attributes {stable_mosaic.version = 14 : i64} {
  func.func @_pool_body(%arg0: i32, %arg1: memref<32x128x512xf32, #tpu.memory_space<vmem>>, %arg2: memref<512xf32, #tpu.memory_space<vmem>>, %arg3: memref<1xf32, #tpu.memory_space<vmem>>, %arg4: memref<32x128xf32, #tpu.memory_space<vmem>>) attributes {dimension_semantics = [#tpu.dimension_semantics<arbitrary>], iteration_bounds = array<i64: 8>, scalar_prefetch = 0 : i64, scratch_operands = 0 : i64, tpu.core_type = #tpu.core_type<tc>, window_params = [{transform_indices = @transform_0, window_bounds = array<i64: 32, 128, 512>}, {pipeline_mode = #tpu.pipeline_mode<synchronous>, transform_indices = @transform_1, window_bounds = array<i64: 512>}, {pipeline_mode = #tpu.pipeline_mode<synchronous>, transform_indices = @transform_2, window_bounds = array<i64: 1>}, {transform_indices = @transform_3, window_bounds = array<i64: 32, 128>}]} {
    %get3A = arith.constant 0 : index
    %get3A_0 = arith.constant 0 : index
    %get3A_1 = arith.constant 0 : index
    %get3A_2 = vector.load %arg1[%get3A, %get3A_0, %get3A_1] : memref<32x128x512xf32, #tpu.memory_space<vmem>>, vector<32x128x512xf32>
    %get3A_3 = arith.constant 0 : index
    %get3A_4 = vector.load %arg2[%get3A_3] : memref<512xf32, #tpu.memory_space<vmem>>, vector<512xf32>
    %broadcast_in_dim3A = vector.shape_cast %get3A_4 : vector<512xf32> to vector<1x1x512xf32>
    %mul3A = vector.broadcast %broadcast_in_dim3A : vector<1x1x512xf32> to vector<32x128x512xf32>
    %mul3A_5 = arith.mulf %get3A_2, %mul3A : vector<32x128x512xf32>
    %reduce_sum3A = arith.constant dense<0.000000e+00> : vector<32x128xf32>
    %reduce_sum3A_6 = vector.multi_reduction <add>, %mul3A_5, %reduce_sum3A [2] : vector<32x128x512xf32> to vector<32x128xf32>
    %get3A_7 = arith.constant 0 : index
    %get3A_8 = vector.load %arg3[%get3A_7] : memref<1xf32, #tpu.memory_space<vmem>>, vector<1xf32>
    %get3A_9 = vector.extract %get3A_8[0] : f32 from vector<1xf32>
    %add3A = vector.broadcast %get3A_9 : f32 to vector<32x128xf32>
    %add3A_10 = arith.addf %reduce_sum3A_6, %add3A : vector<32x128xf32>
    %swap3A = arith.constant 0 : index
    %swap3A_11 = arith.constant 0 : index
    %swap3A_12 = vector.load %arg4[%swap3A, %swap3A_11] : memref<32x128xf32, #tpu.memory_space<vmem>>, vector<32x128xf32>
    tpu.vector_store %arg4[%swap3A, %swap3A_11], %add3A_10 {strides = array<i32>} : memref<32x128xf32, #tpu.memory_space<vmem>>, vector<32x128xf32>,
    return
  }
  func.func @transform_0(%arg0: i32) -> (i32, i32, i32) {
    %c0_i32 = arith.constant 0 : i32
    %c0_i32_0 = arith.constant 0 : i32
    %c0_i32_1 = arith.constant 0 : i32
    return %arg0, %c0_i32, %c0_i32_0 : i32, i32, i32
  }
  func.func @transform_1(%arg0: i32) -> i32 {
    %c0_i32 = arith.constant 0 : i32
    %c0_i32_0 = arith.constant 0 : i32
    return %c0_i32 : i32
  }
  func.func @transform_2(%arg0: i32) -> i32 {
    %c0_i32 = arith.constant 0 : i32
    %c0_i32_0 = arith.constant 0 : i32
    return %c0_i32 : i32
  }
  func.func @transform_3(%arg0: i32) -> (i32, i32) {
    %c0_i32 = arith.constant 0 : i32
    %c0_i32_0 = arith.constant 0 : i32
    return %arg0, %c0_i32 : i32, i32
  }
}

</mosaic_0001>

<sc_bundles>
// kernel: kernel.4.cloned.1.call-start
scs
__scs_entry_jumppad:
0x0: {  	(pc) =	sbr.rel $0x88, $3  }
0x1: {  	(tag) =	ssettag $0x0;
	lr =	simm.s32 $0x1  }
0x2: {  	[smem:$0x3F9D] =	sst lr;
	_ =	strace $0xD0000000  }
0x3: {  	_ = 	snop  }
0x4: {  	_ = 	snop  }
0x5: {  	_ = 	snop  }
0x6: {  	_ = 	snop  }
0x7: {  	_ = 	snop  }
__scs_overlays_trampoline_lowered:
0x8: {  	[smem:$0x3FAC] =	sst s0  }
0x9: {  	[smem:$0x3FAD] =	sst s1  }
0xa: {  	[smem:$0x3FAE] =	sst s2  }
0xb: {  	[smem:$0x3FAF] =	sst s3  }
0xc: {  	[smem:$0x3FB0] =	sst s4  }
0xd: {  	[smem:$0x3FB1] =	sst s5  }
0xe: {  	[smem:$0x3FB2] =	sst s6  }
0xf: {  	[smem:$0x3FB3] =	sst s7  }
0x10: {  	[smem:$0x3FB4] =	sst s8  }
0x11: {  	[smem:$0x3FB5] =	sst s9;
	s0 =	simm.s32 @!p0 $0x0  }
0x12: {  	s1 =	sld [smem:$0x3F9B];
	s0 =	simm.s32 @p0 $0x1  }
0x13: {  	[smem:$0x3FB6] =	sst s0;
	s0 =	simm.s32 @!p1 $0x0  }
0x14: {  	s2 =	sld [smem:$0x3F9A];
	s0 =	simm.s32 @p1 $0x1  }
0x15: {  	[smem:$0x3FB7] =	sst s0;
	s0 =	simm.s32 @!p2 $0x0  }
0x16: {  	s3 =	sld [smem:$0x3FDB];
	s0 =	simm.s32 @p2 $0x1  }
0x17: {  	s4 =	simm.s32 $0x1BF5;
	[smem:$0x3FB9] =	sst s0  }
0x18: {  	s0 =	sld [smem:$0x3F9C];
	_ =	swait.ge [sflag:s4], $0x0  }
0x19: {  	s7 =	sld [smem:$0x3F9D]  }
0x1a: {  	s8 =	sadd.s32 $0xFFFFE003, lr  }
0x1b: {  	s9 =	sadd.s32 $0xFFFFFEF7, lr;
	s5 =	simm.s32 $0xFFFFFFFF;
	p2 =	slt.u32 s8, $0xFFFFF086  }
0x1c: {  	p1 =	slt.u32 s9, $0xF7A;
	s5 =	simm.s32 @!p2 $0x0  }
0x1d: {  	s5 =	simm.s32 @p1 $0x1;
	p0 =	seq.s32 s7, s2  }
0x1e: {  	s7 =	smul.u32 @!p0 $0xF7A, s2;
	p2 =	seq.s32 @!p0 s5, $0x0  }
0x1f: {  	s9 =	smul.u32 $0xF7A, s1;
	s8 =	simm.s32 @!p0 $0x1BF5;
	p2 =	por !p2, p0  }
0x20: {  	[sflag:s8] =	ssyncset.s32 @!p0 $0xFFFFF086;
	s6 =	sadd.s32 @!p0 s3, s7;
	s7 =	simm.s32 @!p0 $0x108  }
0x21: {  	s3 =	sadd.s32 s3, s9;
	s6 =	sadd.s32 @!p0 $0x88, s6;
	s7 =	simm.s32 @p2 $0x1082  }
0x22: {  	[simem:s7], [sflag:s8] =	dma.local @!p0 [hbm:s6], $0xF7A  }
0x23: {  	s9 =	sor.u32 $0xD0000000, s2;
	s6 =	simm.s32 $0x108;
	_ =	swait.ge @!p0 [sflag:s8], $0x0  }
0x24: {  	s3 =	sadd.s32 $0x88, s3;
	s6 =	simm.s32 @!p1 $0x1082;
	[sflag:s4] =	ssyncset.s32 $0xFFFFF086  }
0x25: {  	[simem:s6], [sflag:s4] =	dma.local [hbm:s3], $0xF7A  }
0x26: {  	[smem:$0x3F9D] =	sst s1;
	(tag) =	ssettag s2;
	_ =	strace s9  }
0x27: {  	s1 =	sld [smem:$0x3FAD]  }
0x28: {  	s2 =	sld [smem:$0x3FAE]  }
0x29: {  	s4 =	sld [smem:$0x3FB0]  }
0x2a: {  	p0 =	seq.s32 s5, $0x0;
	s5 =	sld [smem:$0x3FB1]  }
0x2b: {  	s6 =	sld [smem:$0x3FB2]  }
0x2c: {  	s7 =	sld [smem:$0x3FB3]  }
0x2d: {  	s3 =	simm.s32 $0x108;
	s8 =	sld [smem:$0x3FB4]  }
0x2e: {  	s3 =	simm.s32 @!p0 $0x1082;
	s9 =	sld [smem:$0x3FB5]  }
0x2f: {  	lr =	sadd.s32 s0, s3;
	s0 =	sld [smem:$0x3FAC]  }
0x30: {  	s3 =	sld [smem:$0x3FAF]  }
0x31: {  	[smem:$0x3FB8] =	sst s10  }
0x32: {  	s10 =	sld [smem:$0x3FB6];
	_ =	sdelay $0x3  }
0x33: {  	p0 =	seq.s32 s10, $0x1;
	s10 =	sld [smem:$0x3FB8];
	_ =	sdelay $0x3  }
0x34: {  	[smem:$0x3FB8] =	sst s10  }
0x35: {  	s10 =	sld [smem:$0x3FB7];
	_ =	sdelay $0x3  }
0x36: {  	p1 =	seq.s32 s10, $0x1;
	s10 =	sld [smem:$0x3FB8];
	_ =	sdelay $0x3  }
0x37: {  	[smem:$0x3FB8] =	sst s10  }
0x38: {  	s10 =	sld [smem:$0x3FB9]  }
0x39: {  	_ = 	snop;
	(pc) =	sbr.ind lr, $3  }
0x3a: {  	_ = 	snop  }
0x3b: {  	_ = 	snop  }
0x3c: {  	p2 =	seq.s32 s10, $0x1;
	s10 =	sld [smem:$0x3FB8]  }
0x3d: {  	_ =	shalt  }
0x3e: {  	_ =	shalt  }
0x3f: {  	_ =	shalt  }
0x40: {  	_ =	shalt  }
0x41: {  	_ =	shalt  }
0x42: {  	_ =	shalt  }
0x43: {  	_ =	shalt  }
0x44: {  	_ =	shalt  }
0x45: {  	_ =	shalt  }
0x46: {  	_ =	shalt  }
0x47: {  	_ =	shalt  }
0x48: {  	_ =	shalt  }
0x49: {  	_ =	shalt  }
0x4a: {  	_ =	shalt  }
0x4b: {  	_ =	shalt  }
0x4c: {  	_ =	shalt  }
0x4d: {  	_ =	shalt  }
0x4e: {  	_ =	shalt  }
0x4f: {  	_ =	shalt  }
0x50: {  	_ =	shalt  }
0x51: {  	_ =	shalt  }
0x52: {  	_ =	shalt  }
0x53: {  	_ =	shalt  }
0x54: {  	_ =	shalt  }
0x55: {  	_ =	shalt  }
0x56: {  	_ =	shalt  }
0x57: {  	_ =	shalt  }
0x58: {  	_ =	shalt  }
0x59: {  	_ =	shalt  }
0x5a: {  	_ =	shalt  }
0x5b: {  	_ =	shalt  }
0x5c: {  	_ =	shalt  }
0x5d: {  	_ =	shalt  }
0x5e: {  	_ =	shalt  }
0x5f: {  	_ =	shalt  }
0x60: {  	_ =	shalt  }
0x61: {  	_ =	shalt  }
0x62: {  	_ =	shalt  }
0x63: {  	_ =	shalt  }
0x64: {  	_ =	shalt  }
0x65: {  	_ =	shalt  }
0x66: {  	_ =	shalt  }
0x67: {  	_ =	shalt  }
0x68: {  	_ =	shalt  }
0x69: {  	_ =	shalt  }
0x6a: {  	_ =	shalt  }
0x6b: {  	_ =	shalt  }
0x6c: {  	_ =	shalt  }
0x6d: {  	_ =	shalt  }
0x6e: {  	_ =	shalt  }
0x6f: {  	_ =	shalt  }
0x70: {  	_ =	shalt  }
0x71: {  	_ =	shalt  }
0x72: {  	_ =	shalt  }
0x73: {  	_ =	shalt  }
0x74: {  	_ =	shalt  }
0x75: {  	_ =	shalt  }
0x76: {  	_ =	shalt  }
0x77: {  	_ =	shalt  }
0x78: {  	_ =	shalt  }
0x79: {  	_ =	shalt  }
0x7a: {  	_ =	shalt  }
0x7b: {  	_ =	shalt  }
0x7c: {  	_ =	shalt  }
0x7d: {  	_ =	shalt  }
0x7e: {  	_ =	shalt  }
0x7f: {  	_ =	shalt  }
0x80: {  	_ =	shalt  }
0x81: {  	_ =	shalt  }
0x82: {  	_ =	shalt  }
0x83: {  	_ =	shalt  }
0x84: {  	_ =	shalt  }
0x85: {  	_ =	shalt  }
0x86: {  	_ =	shalt  }
0x87: {  	_ =	shalt  }
.Lfunc_end0:
.L_simem_size_0:
called_computation_lowered:
.L_overlay_start_0:
0x88: {  	s2 =	sld [smem:$0x3FD9]  }
0x89: {  	s3 =	sld [smem:$0x3FFE];
	_ =	sdelay $0x1  }
0x8a: {  	s1 =	srdreg.scid  }
0x8b: {  	s0 =	sand.u32 $0x1, s1  }
0x8c: {  	s17 =	sshll.u32 s0, $0xA;
	s2 =	sadd.s32 s3, s2  }
0x8d: {  	s2 =	sadd.s32 s2, s17  }
0x8e: {  	[smem:$0x3FC4] =	sst s2  }
0x8f: {  	_ = 	snop  }
0x90: {  	s2 =	sld [smem:$0x3FD0];
	(tm) =	ssettm $0x1  }
0x91: {  	s18 =	sld [smem:$0x3FFB];
	_ =	sdelay $0x3  }
0x92: {  	_ =	strace s18  }
0x93: {  	s3 =	sld [smem:$0x3FFC];
	_ =	sdelay $0x3  }
0x94: {  	_ =	strace s3  }
0x95: {  	s3 =	sld [smem:$0x3FFD];
	_ =	sdelay $0x3  }
0x96: {  	_ =	strace s3  }
0x97: {  	_ =	strace $0x8FFFFFFF  }
0x98: {  	s19 =	sld [smem:$0x3FDB];
	_ =	sdelay $0x1  }
0x99: {  	s4 =	simm.s32 $_scs_section_size  }
0x9a: {  	s5 =	simm.s32 $_size__tile_overlayer_lowered;
	s6 =	simm.s32 $_tile_overlayer_lowered  }
0x9b: {  	s22 =	simm.s32 $0x1BFF;
	s21 =	sshll.u32 s6, $0x1;
	s3 =	sadd.s32 s4, s19  }
0x9c: {  	s7 =	simm.s32 $0x0;
	s20 =	sshll.u32 s5, $0x1;
	s5 =	sadd.s32 s21, s3  }
0x9d: {  	[timem:s7], [sflag:s22] =	dma.local [hbm:s5], s20  }
0x9e: {  	_ =	swait.ge [sflag:s22], s20  }
0x9f: {  	s4 =	ssub.s32 $0x0, s20;
	[sflag:s22] =	ssyncset.done $0x0  }
0xa0: {  	[sflag:s22] =	ssyncadd.s32 s4;
	_ =	sdelay $0x1  }
0xa1: {  	s23 =	simm.s32 $0x1B8B  }
0xa2: {  	_ =	swait.ge [sflag:s23], $0x1  }
0xa3: {  	[sflag:s23] =	ssyncset.done $0x0  }
0xa4: {  	s25 =	simm.s32 $0x1B8E;
	s24 =	sld [smem:$0x3FFE];
	[sflag:s23] =	ssyncadd.s32 $0xFFFFFFFF  }
0xa5: {  	s26 =	simm.s32 $execute0_lowered;
	[smem:$0x3FD2] =	sst s25  }
0xa6: {  	s5 =	sshll.u32 s26, $0x1;
	_ =	strace $0x80000046;
	[dreg:$0x1] =	wrdreg $0xFFFFFFFF  }
0xa7: {  	s28 =	simm.s32 $_size_execute0_lowered;
	s3 =	sadd.s32 s3, s5;
	[dreg:$0x0] =	wrdreg $0x0  }
0xa8: {  	s5 =	sshll.u32 s28, $0x1;
	[dreg:$0x2] =	wrdreg s3  }
0xa9: {  	[dreg:$0x3] =	wrdreg s5  }
0xaa: {  	[dreg:$0x4] =	wrdreg $0xC0  }
0xab: {  	_ =	task [dreg:s7], $0x5FFFF  }
0xac: {  	[dreg:$0x1] =	wrdreg $0xFFFFFFFF  }
0xad: {  	[dreg:$0x0] =	wrdreg $0x60  }
0xae: {  	[dreg:$0x2] =	wrdreg s2  }
0xaf: {  	[dreg:$0x3] =	wrdreg s24  }
0xb0: {  	[dreg:$0x4] =	wrdreg $0x9  }
0xb1: {  	_ =	task.clear_ibuf [dreg:s7], $0x5FFFF;
	_ =	strace $0x90000046  }
0xb2: {  	s29 =	simm.s32 $0x9;
	_ =	strace $0x80000048  }
0xb3: {  	_ =	swait.ge [sflag:s29], $0x1  }
0xb4: {  	[sflag:s29] =	ssyncadd.s32 $0xFFFFFFFF  }
0xb5: {  	_ =	strace $0x90000048  }
0xb6: {  	_ =	sfence  }
0xb7: {  	s30 =	sld [smem:$0x0];
	_ =	sdelay $0x2  }
0xb8: {  	s31 =	sshll.u32 s1, $0xD;
	s1 =	sshrl.u32 s1, $0x2  }
0xb9: {  	s3 =	sand.u32 $0x4000, s31;
	s1 =	sadd.s32 s1, s30  }
0xba: {  	s0 =	sor.u32 s3, s0;
	s1 =	sshll.u32 s1, $0x11  }
0xbb: {  	s0 =	sor.u32 s1, s0  }
0xbc: {  	s0 =	sadd.s32 $0x8F2B, s0  }
0xbd: {  	[sflag:s0] =	ssyncadd.remote.s32 $0x1  }
0xbe: {  	_ =	sfence.sel $0xFFFF  }
0xbf: {  	[dreg:$0x0] =	wrdreg $0xFFFFFFFF;
	(pc) =	sbr.abs _section_cstart, $3  }
0xc0: {  	[dreg:$0x1] =	wrdreg $0xFFFFFFFF  }
0xc1: {  	_ =	task.clear_ibuf [dreg:s7], $0x2FFFF;
	_ =	strace $0x9FFFFFFF  }
0xc2: {  	(tm) =	ssettm $0x7FFFFFFF  }
0xc3: {  	_ =	shalt  }
tec
execute0_lowered:
.L_overlay_start_1:
0x0: {  	(tag) =	ssettag $0x1  }
0x1: {  	s0 =	srdreg.scid  }
0x2: {  	s5 =	rddreg [dreg:$0x0];
	s4 =	sand.u32 $0x1, s0  }
0x3: {  	s3 =	simm.s32 $0x1;
	s0 =	stileid.u32;
	s1 =	sshll.u32 s4, $0x4  }
0x4: {  	s6 =	rddreg [dreg:$0x1];
	s2 =	sand.u32 $0x1, s0;
	s1 =	sor.u32 s0, s1  }
0x5: {  	s10 =	simm.s32 $0x7530;
	p0 =	seq.s32 s2, $0x1;
	p1 =	seq.s32 s1, $0x0  }
0x6: {  	s12 =	simm.s32 $0x0;
	s4 =	ssub.s32 $0x2, s4;
	p1 =	por !p1, !p0  }
0x7: {  	s2 =	simm.s32 $0x0;
	s9 =	sshrl.u32 s4, $0x1;
	p1 =	por !p1, !p1  }
0x8: {  	s7 =	sshrl.u32 s1, $0x1;
	s1 =	rddreg [dreg:$0x2];
	s3 =	simm.s32 @!p1 $0x0  }
0x9: {  	[smem:$0x7FF] =	sst s2;
	s10 =	simm.s32 @!p0 $0x0;
	s7 =	ssub.s32 s7, s3  }
0xa: {  	s31 =	ssub.s32 s4, s9;
	s8 =	smul.u32 $0xEA60, s7;
	s7 =	sshll.u32 s7, $0x8  }
0xb: {  	s9 =	simm.s32 $0x2;
	_ =	strace $0x80000047;
	s7 =	sand.u32 $0x1FFFFF00, s7  }
0xc: {  	s3 =	simm.s32 $0x1;
	s8 =	sadd.s32 s10, s8;
	s11 =	sadd.s32 s7, s6  }
0xd: {  	s4 =	sadd.s32 s5, s7;
	s7 =	smax.u32 s31, $0x1;
	s8 =	sshrl.u32 s8, $0x3  }
0xe: {  	v0 =	vmov s10;
	s10 =	simm.s32 $0x1000;
	s5 =	sadd.s32 $0x800, s11;
	s6 =	sadd.s32 s8, s6  }
0xf: {  	v1 =	vimm.f32 $0.0e+00;
	s11 =	simm.s32 $0x3;
	s8 =	simm.s32 $0x800;
	s6 =	sadd.s32 $0x1800, s6  }
.LBB2_1:
0x10: {  	[tilespmem:s2], [sflag:$0x1] =	stream.linear.gather [hbm4b:s4+s2], $0x800, $0x38;
	[tilespmem:$0x8580] =	vst v63  }
0x11: {  	s13 =	simm.s32 $0x10C0  }
0x12: {  	[tilespmem:s8], [sflag:$0x2] =	stream.linear.gather [hbm4b:s5+s2], $0x800, $0x38;
	[tilespmem:$0x8580] =	vst v63  }
0x13: {  	[tilespmem:s13+$0xFFFFFF40] =	vst v1  }
0x14: {  	[tilespmem:s13+$0xFFFFFFB0] =	vst v1  }
0x15: {  	[tilespmem:s13+$0xFFFFFFA0] =	vst v1  }
0x16: {  	[tilespmem:s13+$0xFFFFFF90] =	vst v1  }
0x17: {  	[tilespmem:s13+$0xFFFFFF80] =	vst v1  }
0x18: {  	[tilespmem:s13+$0xFFFFFF70] =	vst v1  }
0x19: {  	[tilespmem:s13+$0xFFFFFF60] =	vst v1  }
0x1a: {  	s14 =	sand.u32 $0xFFF0, s2;
	[tilespmem:s13+$0xFFFFFF50] =	vst v1  }
0x1b: {  	[tilespmem:s14+$0x1080] =	vst v1  }
0x1c: {  	[tilespmem:s13+$0x30] =	vst v1  }
0x1d: {  	[tilespmem:s13+$0x20] =	vst v1  }
0x1e: {  	s15 =	simm.s32 $0x190;
	s16 =	simm.s32 $0x10C0;
	[tilespmem:s13+$0x10] =	vst v1  }
.LBB2_2:
0x1f: {  	p0 =	sne.s32 s15, $0x73A0  }
0x20: {  	[tilespmem:s13+$0x0] =	vst v1;
	s16 =	sadd.s32 $0x190, s16;
	s17 =	smov.u32 s15;
	s15 =	sadd.s32 $0x190, s15  }
0x21: {  	[tilespmem:s13+$0xFFFFFFF0] =	vst v1  }
0x22: {  	[tilespmem:s13+$0xFFFFFFD0] =	vst v1  }
0x23: {  	[tilespmem:s13+$0xFFFFFFE0] =	vst v1  }
0x24: {  	[tilespmem:s14+$0x1100] =	vst v1  }
0x25: {  	[tilespmem:s13+$0x50] =	vst v1  }
0x26: {  	[tilespmem:s13+$0xB0] =	vst v1  }
0x27: {  	[tilespmem:s13+$0xA0] =	vst v1  }
0x28: {  	[tilespmem:s13+$0x90] =	vst v1  }
0x29: {  	[tilespmem:s13+$0x80] =	vst v1  }
0x2a: {  	[tilespmem:s13+$0x60] =	vst v1  }
0x2b: {  	[tilespmem:s13+$0x70] =	vst v1;
	s13 =	smov.u32 s16  }
0x2c: {  	[tilespmem:s14+$0x1180] =	vst v1  }
0x2d: {  	[tilespmem:s16+$0xFFFFFF40] =	vst v1  }
0x2e: {  	[tilespmem:s16+$0xFFFFFFB0] =	vst v1  }
0x2f: {  	[tilespmem:s16+$0xFFFFFFA0] =	vst v1  }
0x30: {  	[tilespmem:s16+$0xFFFFFF90] =	vst v1  }
0x31: {  	[tilespmem:s16+$0xFFFFFF80] =	vst v1  }
0x32: {  	[tilespmem:s16+$0xFFFFFF70] =	vst v1  }
0x33: {  	[tilespmem:s16+$0xFFFFFF60] =	vst v1  }
.Ltmp0:
0x34: {  	s14 =	sand.u32 $0xFFF0, s17;
	[tilespmem:s16+$0xFFFFFF50] =	vst v1;
	(pc) =	sbr.rel @p0 .LBB2_2-.Ltmp0, $4  }
0x35: {  	[tilespmem:s14+$0x1080] =	vst v1  }
0x36: {  	[tilespmem:s16+$0x30] =	vst v1  }
0x37: {  	[tilespmem:s16+$0x20] =	vst v1  }
0x38: {  	[tilespmem:s16+$0x10] =	vst v1  }
0x39: {  	[tilespmem:s13+$0x0] =	vst v1  }
0x3a: {  	[tilespmem:s13+$0xFFFFFFF0] =	vst v1  }
0x3b: {  	[tilespmem:s13+$0xFFFFFFD0] =	vst v1  }
0x3c: {  	[tilespmem:s13+$0xFFFFFFE0] =	vst v1  }
0x3d: {  	[tilespmem:s14+$0x1100] =	vst v1  }
0x3e: {  	[tilespmem:s13+$0x50] =	vst v1  }
0x3f: {  	[tilespmem:s13+$0xB0] =	vst v1  }
0x40: {  	[tilespmem:s13+$0xA0] =	vst v1  }
0x41: {  	[tilespmem:s13+$0x90] =	vst v1  }
0x42: {  	[tilespmem:s13+$0x80] =	vst v1  }
0x43: {  	[tilespmem:s13+$0x60] =	vst v1  }
0x44: {  	[tilespmem:s13+$0x70] =	vst v1  }
0x45: {  	[tilespmem:s14+$0x1180] =	vst v1  }
0x46: {  	_ =	swait.ge [sflag:s3], $0x800  }
0x47: {  	[sflag:s3] =	ssyncset.done $0x0  }
0x48: {  	[sflag:s3] =	ssyncadd.s32 $0xFFFFF800  }
0x49: {  	_ =	swait.ge [sflag:s9], $0x800  }
0x4a: {  	[sflag:s9] =	ssyncset.done $0x0  }
0x4b: {  	s13 =	simm.s32 $0x0;
	[sflag:s9] =	ssyncadd.s32 $0xFFFFF800  }
.LBB2_4:
0x4c: {  	s14 =	sshra.s32 s13, $0x2  }
0x4d: {  	v2 =	vld [tilespmem:s14+$0x0];
	_ =	sdelay $0x4  }
0x4e: {  	v2 =	vsub.s32 v2, v0  }
0x4f: {  	vm0 =	vlt.u32 v2, $0x7530  }
0x50: {  	v3 =	vld [tilespmem:s14+$0x800];
	_ =	sdelay $0x4  }
0x51: {  	[tilespmem:v2+s10+$0x0] =	vst.idx.msk vm0, v3  }
0x52: {  	v2 =	vld [tilespmem:s14+$0x10];
	_ =	sdelay $0x4  }
0x53: {  	v2 =	vsub.s32 v2, v0  }
0x54: {  	vm9 =	vlt.u32 v2, $0x7530  }
0x55: {  	v3 =	vld [tilespmem:s14+$0x810];
	_ =	sdelay $0x4  }
0x56: {  	[tilespmem:v2+s10+$0x0] =	vst.idx.msk vm9, v3  }
0x57: {  	v2 =	vld [tilespmem:s14+$0x20];
	_ =	sdelay $0x4  }
0x58: {  	v2 =	vsub.s32 v2, v0  }
0x59: {  	vm10 =	vlt.u32 v2, $0x7530  }
0x5a: {  	v3 =	vld [tilespmem:s14+$0x820];
	_ =	sdelay $0x4  }
0x5b: {  	[tilespmem:v2+s10+$0x0] =	vst.idx.msk vm10, v3  }
0x5c: {  	v2 =	vld [tilespmem:s14+$0x30];
	_ =	sdelay $0x4  }
0x5d: {  	v2 =	vsub.s32 v2, v0  }
0x5e: {  	vm11 =	vlt.u32 v2, $0x7530  }
0x5f: {  	v3 =	vld [tilespmem:s14+$0x830];
	_ =	sdelay $0x4  }
0x60: {  	[tilespmem:v2+s10+$0x0] =	vst.idx.msk vm11, v3  }
0x61: {  	v2 =	vld [tilespmem:s14+$0x40];
	_ =	sdelay $0x4  }
0x62: {  	v2 =	vsub.s32 v2, v0  }
0x63: {  	vm12 =	vlt.u32 v2, $0x7530  }
0x64: {  	v3 =	vld [tilespmem:s14+$0x840];
	_ =	sdelay $0x4  }
0x65: {  	[tilespmem:v2+s10+$0x0] =	vst.idx.msk vm12, v3  }
0x66: {  	v2 =	vld [tilespmem:s14+$0x50];
	_ =	sdelay $0x4  }
0x67: {  	v2 =	vsub.s32 v2, v0  }
0x68: {  	vm13 =	vlt.u32 v2, $0x7530  }
0x69: {  	v3 =	vld [tilespmem:s14+$0x850];
	_ =	sdelay $0x4  }
0x6a: {  	[tilespmem:v2+s10+$0x0] =	vst.idx.msk vm13, v3  }
0x6b: {  	v2 =	vld [tilespmem:s14+$0x60];
	_ =	sdelay $0x4  }
0x6c: {  	v2 =	vsub.s32 v2, v0  }
0x6d: {  	vm14 =	vlt.u32 v2, $0x7530  }
0x6e: {  	v3 =	vld [tilespmem:s14+$0x860];
	_ =	sdelay $0x4  }
0x6f: {  	[tilespmem:v2+s10+$0x0] =	vst.idx.msk vm14, v3  }
0x70: {  	v2 =	vld [tilespmem:s14+$0x70];
	_ =	sdelay $0x4  }
0x71: {  	v2 =	vsub.s32 v2, v0  }
0x72: {  	vm15 =	vlt.u32 v2, $0x7530  }
0x73: {  	p0 =	sne.s32 s13, $0x1E00;
	v3 =	vld [tilespmem:s14+$0x870]  }
.Ltmp1:
0x74: {  	_ = 	snop;
	(pc) =	sbr.rel @p0 .LBB2_4-.Ltmp1, $2  }
0x75: {  	_ =	sdelay $0x2  }
0x76: {  	s13 =	sadd.s32 $0x200, s13;
	[tilespmem:v2+s10+$0x0] =	vst.idx.msk vm15, v3  }
0x77: {  	s12 =	sadd.s32 $0x1, s12  }
0x78: {  	p0 =	sne.s32 s12, s7  }
.Ltmp2:
0x79: {  	_ = 	snop;
	(pc) =	sbr.rel @p0 .LBB2_1-.Ltmp2, $4  }
0x7a: {  	[hbm4b:s6+s2] =	stream.linear.scatter [tilespmem:s10], [sflag:$0x3], $0x7530, $0x38;
	[tilespmem:$0x8580] =	vst v63  }
0x7b: {  	_ =	swait.ge [sflag:s11], $0x7530  }
0x7c: {  	[sflag:s11] =	ssyncset.done $0x0  }
0x7d: {  	[sflag:s11] =	ssyncadd.s32 $0xFFFF8AD0  }
0x7e: {  	_ =	sfence.sel $0x180000  }
0x7f: {  	[bflag:$0x0] =	sbarrier.arrive $0xFFFF  }
0x80: {  	p0 =	sne.s32 s0, $0x0;
	_ =	strace $0x90000047  }
0x81: {  	s0 =	sadd.s32 @!p0 $0x100000, s1;
	[bflag:$0x2] =	sbarrier.arrive $0xFFFF  }
0x82: {  	[sflag:s0] =	ssyncadd.tile.s32 @!p0 $0x1;
	_ =	shalt  }
.Lfunc_end2:
_tile_overlayer_lowered:
.L_overlay_start_2:
0x83: {  	(tag) =	ssettag $0x2  }
0x84: {  	s0 =	rddreg [dreg:$0x0];
	s2 =	stileid.u32  }
0x85: {  	s1 =	rddreg [dreg:$0x1];
	p0 =	sne.s32 s2, $0x0  }
0x86: {  	s3 =	rddreg [dreg:$0x2];
	[bflag:$0x3] =	sbarrier.arrive $0xFFFF;
	s2 =	simm.s32 @!p0 $0x1C03  }
0x87: {  	[timem:s3], [sflag:s2] =	dma.local @!p0 [hbm:s0], s1  }
0x88: {  	s0 =	simm.s32 @!p0 $0x3  }
0x89: {  	_ =	swait.ge @!p0 [sflag:s0], s1  }
0x8a: {  	s1 =	ssub.s32 @!p0 $0x0, s1;
	[sflag:s0] =	ssyncset.done @!p0 $0x0  }
0x8b: {  	[sflag:s0] =	ssyncadd.s32 @!p0 s1  }
0x8c: {  	[bflag:$0x3] =	sbarrier.arrive $0xFFFF  }
0x8d: {  	_ =	shalt  }

</sc_bundles>
